<compile_context>
chip_gen: v7x
topology: tpu7x:2x2x1
jax: 0.10.2.dev20260603
libtpu: 0.0.44.dev20260713+nightly
codegen_flags: <defaults>
</compile_context>

<pallas_src>
import jax
import jax.numpy as jnp
from jax.experimental import pallas as pl
from jax.experimental.pallas import tpu as pltpu

_NUM_HEADS = 8
_DIM_PER_HEAD = 32
_NUM_CLUSTERS = 512
_ROW_BLOCK = 512


def _vq_kernel(xt_ref, w_ref, msq_ref, out_ref):
    xt = xt_ref[...]
    for h in range(_NUM_HEADS):
        xh_t = xt[h * _DIM_PER_HEAD:(h + 1) * _DIM_PER_HEAD, :]
        x_sq = jnp.sum(xh_t * xh_t, axis=0)[None, :]
        cross2 = jax.lax.dot_general(
            w_ref[h], xh_t,
            dimension_numbers=(((1,), (0,)), ((), ())),
            preferred_element_type=jnp.float32,
        )
        dists = (x_sq + cross2) + msq_ref[h][:, None]
        out_ref[h, :] = jnp.argmin(dists, axis=0).astype(jnp.int32)


@jax.jit
def kernel(x, means):
    b, n, f = x.shape
    h, d, k = _NUM_HEADS, _DIM_PER_HEAD, _NUM_CLUSTERS
    rows = b * n
    xt = x.reshape(rows, f).T
    w = -2.0 * means
    m_sq = jnp.sum(means * means, axis=-1)

    grid = rows // _ROW_BLOCK
    out = pl.pallas_call(
        _vq_kernel,
        grid=(grid,),
        in_specs=[
            pl.BlockSpec((f, _ROW_BLOCK), lambda i: (0, i)),
            pl.BlockSpec((h, k, d), lambda i: (0, 0, 0)),
            pl.BlockSpec((h, k), lambda i: (0, 0)),
        ],
        out_specs=pl.BlockSpec((h, _ROW_BLOCK), lambda i: (0, i)),
        out_shape=jax.ShapeDtypeStruct((h, rows), jnp.int32),
        compiler_params=pltpu.CompilerParams(
            dimension_semantics=("parallel",),
        ),
    )(xt, w, m_sq)
    return out.T.reshape(b, n, h)

# --- scband reference (transcript-rebuilt; emitter-appended) ---
"""Pipeline reference for scband-vector-quantization-85985245266491 (READ-ONLY COPY).

The authoritative reference and input builder live on the scoring server;
editing this copy changes nothing except your own understanding.
"""

import jax, jax.numpy as jnp
import numpy as np

NUM_HEADS = 8
DIM_PER_HEAD = 32
NUM_CLUSTERS = 512


def setup_inputs(seed: int = 0) -> dict:
    key = jax.random.key(seed)
    k1, k2 = jax.random.split(key)
    x = jax.random.normal(k1, (32, 1024, NUM_HEADS * DIM_PER_HEAD), dtype=jnp.float32)
    # learned buffer: means [h, k, d]
    means = jax.random.normal(k2, (NUM_HEADS, NUM_CLUSTERS, DIM_PER_HEAD), dtype=jnp.float32)
    return {"x": x, "means": means}


def reference(x, means):
    b, n, f = x.shape
    h, d = NUM_HEADS, DIM_PER_HEAD
    assert f == h * d
    xh = x.reshape(b, n, h, d)  # 'b n (h d) -> b n h d'
    x_sq = jnp.sum(xh ** 2, axis=-1)[..., None]          # [b, n, h, 1]
    m_sq = jnp.sum(means ** 2, axis=-1)[None, None, :, :]  # [1, 1, h, k]
    cross = jnp.einsum('bnhd,hkd->bnhk', xh, means)       # [b, n, h, k]
    dists = x_sq - 2.0 * cross + m_sq
    cluster_ids = jnp.argmin(dists, axis=-1)              # [b, n, h] int
    return cluster_ids

if __name__ == "__main__":
    import jax
    _d = setup_inputs()
    print(jax.jit(kernel)(*tuple(_d.values())))

</pallas_src>

<mosaic_0001>
module attributes {stable_mosaic.version = 14 : i64} {
  func.func @_vq_kernel(%arg0: i32, %arg1: memref<256x512xf32, #tpu.memory_space<vmem>>, %arg2: memref<8x512x32xf32, #tpu.memory_space<vmem>>, %arg3: memref<8x512xf32, #tpu.memory_space<vmem>>, %arg4: memref<8x512xi32, #tpu.memory_space<vmem>>) attributes {dimension_semantics = [#tpu.dimension_semantics<parallel>], iteration_bounds = array<i64: 64>, scalar_prefetch = 0 : i64, scratch_operands = 0 : i64, tpu.core_type = #tpu.core_type<tc>, window_params = [{transform_indices = @transform_0, window_bounds = array<i64: 256, 512>}, {pipeline_mode = #tpu.pipeline_mode<synchronous>, transform_indices = @transform_1, window_bounds = array<i64: 8, 512, 32>}, {pipeline_mode = #tpu.pipeline_mode<synchronous>, transform_indices = @transform_2, window_bounds = array<i64: 8, 512>}, {transform_indices = @transform_3, window_bounds = array<i64: 8, 512>}]} {
    %get3A = arith.constant 0 : index
    %get3A_0 = arith.constant 0 : index
    %get3A_1 = vector.load %arg1[%get3A, %get3A_0] : memref<256x512xf32, #tpu.memory_space<vmem>>, vector<256x512xf32>
    %slice3A = vector.extract_strided_slice %get3A_1 {offsets = [0, 0], sizes = [32, 512], strides = [1, 1]} : vector<256x512xf32> to vector<32x512xf32>
    %mul3A = arith.mulf %slice3A, %slice3A : vector<32x512xf32>
    %reduce_sum3A = arith.constant dense<0.000000e+00> : vector<512xf32>
    %reduce_sum3A_2 = vector.multi_reduction <add>, %mul3A, %reduce_sum3A [0] : vector<32x512xf32> to vector<512xf32>
    %broadcast_in_dim3A = vector.shape_cast %reduce_sum3A_2 : vector<512xf32> to vector<1x512xf32>
    %get3A_3 = arith.constant 0 : index
    %get3A_4 = arith.constant 0 : index
    %get3A_5 = arith.constant 0 : index
    %get3A_6 = vector.load %arg2[%get3A_3, %get3A_4, %get3A_5] : memref<8x512x32xf32, #tpu.memory_space<vmem>>, vector<1x512x32xf32>
    %get3A_7 = vector.shape_cast %get3A_6 : vector<1x512x32xf32> to vector<512x32xf32>
    %dot_general3A = arith.constant dense<0.000000e+00> : vector<512x512xf32>
    %dot_general3A_8 = tpu.matmul %get3A_7, %slice3A, %dot_general3A {dimension_numbers = #tpu.dot_dimension_numbers<[1], [0], [0], [1], [0, 0, 1, 1], [], []>, transpose_lhs_hint = false} : vector<512x32xf32>, vector<32x512xf32>, vector<512x512xf32> -> vector<512x512xf32>
    %add3A = vector.broadcast %broadcast_in_dim3A : vector<1x512xf32> to vector<512x512xf32>
    %add3A_9 = arith.addf %add3A, %dot_general3A_8 : vector<512x512xf32>
    %get3A_10 = arith.constant 0 : index
    %get3A_11 = arith.constant 0 : index
    %get3A_12 = vector.load %arg3[%get3A_10, %get3A_11] : memref<8x512xf32, #tpu.memory_space<vmem>>, vector<1x512xf32>
    %get3A_13 = vector.shape_cast %get3A_12 : vector<1x512xf32> to vector<512xf32>
    %broadcast_in_dim3A_14 = vector.shape_cast %get3A_13 : vector<512xf32> to vector<512x1xf32>
    %add3A_15 = vector.broadcast %broadcast_in_dim3A_14 : vector<512x1xf32> to vector<512x512xf32>
    %add3A_16 = arith.addf %add3A_9, %add3A_15 : vector<512x512xf32>
    %argmin3A = tpu.reduce_index %add3A_16 {axis = 0 : i32, kind = #tpu.reduction_kind<arg_min>} : vector<512x512xf32> -> vector<512xi32>
    %swap3A = arith.constant 0 : index
    %swap3A_17 = arith.constant 0 : index
    %swap3A_18 = vector.load %arg4[%swap3A, %swap3A_17] : memref<8x512xi32, #tpu.memory_space<vmem>>, vector<1x512xi32>
    %swap3A_19 = vector.shape_cast %swap3A_18 : vector<1x512xi32> to vector<512xi32>
    %swap3A_20 = vector.shape_cast %argmin3A : vector<512xi32> to vector<1x512xi32>
    tpu.vector_store %arg4[%swap3A, %swap3A_17], %swap3A_20 {strides = array<i32>} : memref<8x512xi32, #tpu.memory_space<vmem>>, vector<1x512xi32>,
    %slice3A_21 = vector.extract_strided_slice %get3A_1 {offsets = [32, 0], sizes = [32, 512], strides = [1, 1]} : vector<256x512xf32> to vector<32x512xf32>
    %mul3A_22 = arith.mulf %slice3A_21, %slice3A_21 : vector<32x512xf32>
    %reduce_sum3A_23 = arith.constant dense<0.000000e+00> : vector<512xf32>
    %reduce_sum3A_24 = vector.multi_reduction <add>, %mul3A_22, %reduce_sum3A_23 [0] : vector<32x512xf32> to vector<512xf32>
    %broadcast_in_dim3A_25 = vector.shape_cast %reduce_sum3A_24 : vector<512xf32> to vector<1x512xf32>
    %get3A_26 = arith.constant 1 : index
    %get3A_27 = arith.constant 0 : index
    %get3A_28 = arith.constant 0 : index
    %get3A_29 = vector.load %arg2[%get3A_26, %get3A_27, %get3A_28] : memref<8x512x32xf32, #tpu.memory_space<vmem>>, vector<1x512x32xf32>
    %get3A_30 = vector.shape_cast %get3A_29 : vector<1x512x32xf32> to vector<512x32xf32>
    %dot_general3A_31 = arith.constant dense<0.000000e+00> : vector<512x512xf32>
    %dot_general3A_32 = tpu.matmul %get3A_30, %slice3A_21, %dot_general3A_31 {dimension_numbers = #tpu.dot_dimension_numbers<[1], [0], [0], [1], [0, 0, 1, 1], [], []>, transpose_lhs_hint = false} : vector<512x32xf32>, vector<32x512xf32>, vector<512x512xf32> -> vector<512x512xf32>
    %add3A_33 = vector.broadcast %broadcast_in_dim3A_25 : vector<1x512xf32> to vector<512x512xf32>
    %add3A_34 = arith.addf %add3A_33, %dot_general3A_32 : vector<512x512xf32>
    %get3A_35 = arith.constant 1 : index
    %get3A_36 = arith.constant 0 : index
    %get3A_37 = vector.load %arg3[%get3A_35, %get3A_36] : memref<8x512xf32, #tpu.memory_space<vmem>>, vector<1x512xf32>
    %get3A_38 = vector.shape_cast %get3A_37 : vector<1x512xf32> to vector<512xf32>
    %broadcast_in_dim3A_39 = vector.shape_cast %get3A_38 : vector<512xf32> to vector<512x1xf32>
    %add3A_40 = vector.broadcast %broadcast_in_dim3A_39 : vector<512x1xf32> to vector<512x512xf32>
    %add3A_41 = arith.addf %add3A_34, %add3A_40 : vector<512x512xf32>
    %argmin3A_42 = tpu.reduce_index %add3A_41 {axis = 0 : i32, kind = #tpu.reduction_kind<arg_min>} : vector<512x512xf32> -> vector<512xi32>
    %swap3A_43 = arith.constant 1 : index
    %swap3A_44 = arith.constant 0 : index
    %swap3A_45 = vector.load %arg4[%swap3A_43, %swap3A_44] : memref<8x512xi32, #tpu.memory_space<vmem>>, vector<1x512xi32>
    %swap3A_46 = vector.shape_cast %swap3A_45 : vector<1x512xi32> to vector<512xi32>
    %swap3A_47 = vector.shape_cast %argmin3A_42 : vector<512xi32> to vector<1x512xi32>
    tpu.vector_store %arg4[%swap3A_43, %swap3A_44], %swap3A_47 {strides = array<i32>} : memref<8x512xi32, #tpu.memory_space<vmem>>, vector<1x512xi32>,
    %slice3A_48 = vector.extract_strided_slice %get3A_1 {offsets = [64, 0], sizes = [32, 512], strides = [1, 1]} : vector<256x512xf32> to vector<32x512xf32>
    %mul3A_49 = arith.mulf %slice3A_48, %slice3A_48 : vector<32x512xf32>
    %reduce_sum3A_50 = arith.constant dense<0.000000e+00> : vector<512xf32>
    %reduce_sum3A_51 = vector.multi_reduction <add>, %mul3A_49, %reduce_sum3A_50 [0] : vector<32x512xf32> to vector<512xf32>
    %broadcast_in_dim3A_52 = vector.shape_cast %reduce_sum3A_51 : vector<512xf32> to vector<1x512xf32>
    %get3A_53 = arith.constant 2 : index
    %get3A_54 = arith.constant 0 : index
    %get3A_55 = arith.constant 0 : index
    %get3A_56 = vector.load %arg2[%get3A_53, %get3A_54, %get3A_55] : memref<8x512x32xf32, #tpu.memory_space<vmem>>, vector<1x512x32xf32>
    %get3A_57 = vector.shape_cast %get3A_56 : vector<1x512x32xf32> to vector<512x32xf32>
    %dot_general3A_58 = arith.constant dense<0.000000e+00> : vector<512x512xf32>
    %dot_general3A_59 = tpu.matmul %get3A_57, %slice3A_48, %dot_general3A_58 {dimension_numbers = #tpu.dot_dimension_numbers<[1], [0], [0], [1], [0, 0, 1, 1], [], []>, transpose_lhs_hint = false} : vector<512x32xf32>, vector<32x512xf32>, vector<512x512xf32> -> vector<512x512xf32>
    %add3A_60 = vector.broadcast %broadcast_in_dim3A_52 : vector<1x512xf32> to vector<512x512xf32>
    %add3A_61 = arith.addf %add3A_60, %dot_general3A_59 : vector<512x512xf32>
    %get3A_62 = arith.constant 2 : index
    %get3A_63 = arith.constant 0 : index
    %get3A_64 = vector.load %arg3[%get3A_62, %get3A_63] : memref<8x512xf32, #tpu.memory_space<vmem>>, vector<1x512xf32>
    %get3A_65 = vector.shape_cast %get3A_64 : vector<1x512xf32> to vector<512xf32>
    %broadcast_in_dim3A_66 = vector.shape_cast %get3A_65 : vector<512xf32> to vector<512x1xf32>
    %add3A_67 = vector.broadcast %broadcast_in_dim3A_66 : vector<512x1xf32> to vector<512x512xf32>
    %add3A_68 = arith.addf %add3A_61, %add3A_67 : vector<512x512xf32>
    %argmin3A_69 = tpu.reduce_index %add3A_68 {axis = 0 : i32, kind = #tpu.reduction_kind<arg_min>} : vector<512x512xf32> -> vector<512xi32>
    %swap3A_70 = arith.constant 2 : index
    %swap3A_71 = arith.constant 0 : index
    %swap3A_72 = vector.load %arg4[%swap3A_70, %swap3A_71] : memref<8x512xi32, #tpu.memory_space<vmem>>, vector<1x512xi32>
    %swap3A_73 = vector.shape_cast %swap3A_72 : vector<1x512xi32> to vector<512xi32>
    %swap3A_74 = vector.shape_cast %argmin3A_69 : vector<512xi32> to vector<1x512xi32>
    tpu.vector_store %arg4[%swap3A_70, %swap3A_71], %swap3A_74 {strides = array<i32>} : memref<8x512xi32, #tpu.memory_space<vmem>>, vector<1x512xi32>,
    %slice3A_75 = vector.extract_strided_slice %get3A_1 {offsets = [96, 0], sizes = [32, 512], strides = [1, 1]} : vector<256x512xf32> to vector<32x512xf32>
    %mul3A_76 = arith.mulf %slice3A_75, %slice3A_75 : vector<32x512xf32>
    %reduce_sum3A_77 = arith.constant dense<0.000000e+00> : vector<512xf32>
    %reduce_sum3A_78 = vector.multi_reduction <add>, %mul3A_76, %reduce_sum3A_77 [0] : vector<32x512xf32> to vector<512xf32>
    %broadcast_in_dim3A_79 = vector.shape_cast %reduce_sum3A_78 : vector<512xf32> to vector<1x512xf32>
    %get3A_80 = arith.constant 3 : index
    %get3A_81 = arith.constant 0 : index
    %get3A_82 = arith.constant 0 : index
    %get3A_83 = vector.load %arg2[%get3A_80, %get3A_81, %get3A_82] : memref<8x512x32xf32, #tpu.memory_space<vmem>>, vector<1x512x32xf32>
    %get3A_84 = vector.shape_cast %get3A_83 : vector<1x512x32xf32> to vector<512x32xf32>
    %dot_general3A_85 = arith.constant dense<0.000000e+00> : vector<512x512xf32>
    %dot_general3A_86 = tpu.matmul %get3A_84, %slice3A_75, %dot_general3A_85 {dimension_numbers = #tpu.dot_dimension_numbers<[1], [0], [0], [1], [0, 0, 1, 1], [], []>, transpose_lhs_hint = false} : vector<512x32xf32>, vector<32x512xf32>, vector<512x512xf32> -> vector<512x512xf32>
    %add3A_87 = vector.broadcast %broadcast_in_dim3A_79 : vector<1x512xf32> to vector<512x512xf32>
    %add3A_88 = arith.addf %add3A_87, %dot_general3A_86 : vector<512x512xf32>
    %get3A_89 = arith.constant 3 : index
    %get3A_90 = arith.constant 0 : index
    %get3A_91 = vector.load %arg3[%get3A_89, %get3A_90] : memref<8x512xf32, #tpu.memory_space<vmem>>, vector<1x512xf32>
    %get3A_92 = vector.shape_cast %get3A_91 : vector<1x512xf32> to vector<512xf32>
    %broadcast_in_dim3A_93 = vector.shape_cast %get3A_92 : vector<512xf32> to vector<512x1xf32>
    %add3A_94 = vector.broadcast %broadcast_in_dim3A_93 : vector<512x1xf32> to vector<512x512xf32>
    %add3A_95 = arith.addf %add3A_88, %add3A_94 : vector<512x512xf32>
    %argmin3A_96 = tpu.reduce_index %add3A_95 {axis = 0 : i32, kind = #tpu.reduction_kind<arg_min>} : vector<512x512xf32> -> vector<512xi32>
    %swap3A_97 = arith.constant 3 : index
    %swap3A_98 = arith.constant 0 : index
    %swap3A_99 = vector.load %arg4[%swap3A_97, %swap3A_98] : memref<8x512xi32, #tpu.memory_space<vmem>>, vector<1x512xi32>
    %swap3A_100 = vector.shape_cast %swap3A_99 : vector<1x512xi32> to vector<512xi32>
    %swap3A_101 = vector.shape_cast %argmin3A_96 : vector<512xi32> to vector<1x512xi32>
    tpu.vector_store %arg4[%swap3A_97, %swap3A_98], %swap3A_101 {strides = array<i32>} : memref<8x512xi32, #tpu.memory_space<vmem>>, vector<1x512xi32>,
    %slice3A_102 = vector.extract_strided_slice %get3A_1 {offsets = [128, 0], sizes = [32, 512], strides = [1, 1]} : vector<256x512xf32> to vector<32x512xf32>
    %mul3A_103 = arith.mulf %slice3A_102, %slice3A_102 : vector<32x512xf32>
    %reduce_sum3A_104 = arith.constant dense<0.000000e+00> : vector<512xf32>
    %reduce_sum3A_105 = vector.multi_reduction <add>, %mul3A_103, %reduce_sum3A_104 [0] : vector<32x512xf32> to vector<512xf32>
    %broadcast_in_dim3A_106 = vector.shape_cast %reduce_sum3A_105 : vector<512xf32> to vector<1x512xf32>
    %get3A_107 = arith.constant 4 : index
    %get3A_108 = arith.constant 0 : index
    %get3A_109 = arith.constant 0 : index
    %get3A_110 = vector.load %arg2[%get3A_107, %get3A_108, %get3A_109] : memref<8x512x32xf32, #tpu.memory_space<vmem>>, vector<1x512x32xf32>
    %get3A_111 = vector.shape_cast %get3A_110 : vector<1x512x32xf32> to vector<512x32xf32>
    %dot_general3A_112 = arith.constant dense<0.000000e+00> : vector<512x512xf32>
    %dot_general3A_113 = tpu.matmul %get3A_111, %slice3A_102, %dot_general3A_112 {dimension_numbers = #tpu.dot_dimension_numbers<[1], [0], [0], [1], [0, 0, 1, 1], [], []>, transpose_lhs_hint = false} : vector<512x32xf32>, vector<32x512xf32>, vector<512x512xf32> -> vector<512x512xf32>
    %add3A_114 = vector.broadcast %broadcast_in_dim3A_106 : vector<1x512xf32> to vector<512x512xf32>
    %add3A_115 = arith.addf %add3A_114, %dot_general3A_113 : vector<512x512xf32>
    %get3A_116 = arith.constant 4 : index
    %get3A_117 = arith.constant 0 : index
    %get3A_118 = vector.load %arg3[%get3A_116, %get3A_117] : memref<8x512xf32, #tpu.memory_space<vmem>>, vector<1x512xf32>
    %get3A_119 = vector.shape_cast %get3A_118 : vector<1x512xf32> to vector<512xf32>
    %broadcast_in_dim3A_120 = vector.shape_cast %get3A_119 : vector<512xf32> to vector<512x1xf32>
    %add3A_121 = vector.broadcast %broadcast_in_dim3A_120 : vector<512x1xf32> to vector<512x512xf32>
    %add3A_122 = arith.addf %add3A_115, %add3A_121 : vector<512x512xf32>
    %argmin3A_123 = tpu.reduce_index %add3A_122 {axis = 0 : i32, kind = #tpu.reduction_kind<arg_min>} : vector<512x512xf32> -> vector<512xi32>
    %swap3A_124 = arith.constant 4 : index
    %swap3A_125 = arith.constant 0 : index
    %swap3A_126 = vector.load %arg4[%swap3A_124, %swap3A_125] : memref<8x512xi32, #tpu.memory_space<vmem>>, vector<1x512xi32>
    %swap3A_127 = vector.shape_cast %swap3A_126 : vector<1x512xi32> to vector<512xi32>
    %swap3A_128 = vector.shape_cast %argmin3A_123 : vector<512xi32> to vector<1x512xi32>
    tpu.vector_store %arg4[%swap3A_124, %swap3A_125], %swap3A_128 {strides = array<i32>} : memref<8x512xi32, #tpu.memory_space<vmem>>, vector<1x512xi32>,
    %slice3A_129 = vector.extract_strided_slice %get3A_1 {offsets = [160, 0], sizes = [32, 512], strides = [1, 1]} : vector<256x512xf32> to vector<32x512xf32>
    %mul3A_130 = arith.mulf %slice3A_129, %slice3A_129 : vector<32x512xf32>
    %reduce_sum3A_131 = arith.constant dense<0.000000e+00> : vector<512xf32>
    %reduce_sum3A_132 = vector.multi_reduction <add>, %mul3A_130, %reduce_sum3A_131 [0] : vector<32x512xf32> to vector<512xf32>
    %broadcast_in_dim3A_133 = vector.shape_cast %reduce_sum3A_132 : vector<512xf32> to vector<1x512xf32>
    %get3A_134 = arith.constant 5 : index
    %get3A_135 = arith.constant 0 : index
    %get3A_136 = arith.constant 0 : index
    %get3A_137 = vector.load %arg2[%get3A_134, %get3A_135, %get3A_136] : memref<8x512x32xf32, #tpu.memory_space<vmem>>, vector<1x512x32xf32>
    %get3A_138 = vector.shape_cast %get3A_137 : vector<1x512x32xf32> to vector<512x32xf32>
    %dot_general3A_139 = arith.constant dense<0.000000e+00> : vector<512x512xf32>
    %dot_general3A_140 = tpu.matmul %get3A_138, %slice3A_129, %dot_general3A_139 {dimension_numbers = #tpu.dot_dimension_numbers<[1], [0], [0], [1], [0, 0, 1, 1], [], []>, transpose_lhs_hint = false} : vector<512x32xf32>, vector<32x512xf32>, vector<512x512xf32> -> vector<512x512xf32>
    %add3A_141 = vector.broadcast %broadcast_in_dim3A_133 : vector<1x512xf32> to vector<512x512xf32>
    %add3A_142 = arith.addf %add3A_141, %dot_general3A_140 : vector<512x512xf32>
    %get3A_143 = arith.constant 5 : index
    %get3A_144 = arith.constant 0 : index
    %get3A_145 = vector.load %arg3[%get3A_143, %get3A_144] : memref<8x512xf32, #tpu.memory_space<vmem>>, vector<1x512xf32>
    %get3A_146 = vector.shape_cast %get3A_145 : vector<1x512xf32> to vector<512xf32>
    %broadcast_in_dim3A_147 = vector.shape_cast %get3A_146 : vector<512xf32> to vector<512x1xf32>
    %add3A_148 = vector.broadcast %broadcast_in_dim3A_147 : vector<512x1xf32> to vector<512x512xf32>
    %add3A_149 = arith.addf %add3A_142, %add3A_148 : vector<512x512xf32>
    %argmin3A_150 = tpu.reduce_index %add3A_149 {axis = 0 : i32, kind = #tpu.reduction_kind<arg_min>} : vector<512x512xf32> -> vector<512xi32>
    %swap3A_151 = arith.constant 5 : index
    %swap3A_152 = arith.constant 0 : index
    %swap3A_153 = vector.load %arg4[%swap3A_151, %swap3A_152] : memref<8x512xi32, #tpu.memory_space<vmem>>, vector<1x512xi32>
    %swap3A_154 = vector.shape_cast %swap3A_153 : vector<1x512xi32> to vector<512xi32>
    %swap3A_155 = vector.shape_cast %argmin3A_150 : vector<512xi32> to vector<1x512xi32>
    tpu.vector_store %arg4[%swap3A_151, %swap3A_152], %swap3A_155 {strides = array<i32>} : memref<8x512xi32, #tpu.memory_space<vmem>>, vector<1x512xi32>,
    %slice3A_156 = vector.extract_strided_slice %get3A_1 {offsets = [192, 0], sizes = [32, 512], strides = [1, 1]} : vector<256x512xf32> to vector<32x512xf32>
    %mul3A_157 = arith.mulf %slice3A_156, %slice3A_156 : vector<32x512xf32>
    %reduce_sum3A_158 = arith.constant dense<0.000000e+00> : vector<512xf32>
    %reduce_sum3A_159 = vector.multi_reduction <add>, %mul3A_157, %reduce_sum3A_158 [0] : vector<32x512xf32> to vector<512xf32>
    %broadcast_in_dim3A_160 = vector.shape_cast %reduce_sum3A_159 : vector<512xf32> to vector<1x512xf32>
    %get3A_161 = arith.constant 6 : index
    %get3A_162 = arith.constant 0 : index
    %get3A_163 = arith.constant 0 : index
    %get3A_164 = vector.load %arg2[%get3A_161, %get3A_162, %get3A_163] : memref<8x512x32xf32, #tpu.memory_space<vmem>>, vector<1x512x32xf32>
    %get3A_165 = vector.shape_cast %get3A_164 : vector<1x512x32xf32> to vector<512x32xf32>
    %dot_general3A_166 = arith.constant dense<0.000000e+00> : vector<512x512xf32>
    %dot_general3A_167 = tpu.matmul %get3A_165, %slice3A_156, %dot_general3A_166 {dimension_numbers = #tpu.dot_dimension_numbers<[1], [0], [0], [1], [0, 0, 1, 1], [], []>, transpose_lhs_hint = false} : vector<512x32xf32>, vector<32x512xf32>, vector<512x512xf32> -> vector<512x512xf32>
    %add3A_168 = vector.broadcast %broadcast_in_dim3A_160 : vector<1x512xf32> to vector<512x512xf32>
    %add3A_169 = arith.addf %add3A_168, %dot_general3A_167 : vector<512x512xf32>
    %get3A_170 = arith.constant 6 : index
    %get3A_171 = arith.constant 0 : index
    %get3A_172 = vector.load %arg3[%get3A_170, %get3A_171] : memref<8x512xf32, #tpu.memory_space<vmem>>, vector<1x512xf32>
    %get3A_173 = vector.shape_cast %get3A_172 : vector<1x512xf32> to vector<512xf32>
    %broadcast_in_dim3A_174 = vector.shape_cast %get3A_173 : vector<512xf32> to vector<512x1xf32>
    %add3A_175 = vector.broadcast %broadcast_in_dim3A_174 : vector<512x1xf32> to vector<512x512xf32>
    %add3A_176 = arith.addf %add3A_169, %add3A_175 : vector<512x512xf32>
    %argmin3A_177 = tpu.reduce_index %add3A_176 {axis = 0 : i32, kind = #tpu.reduction_kind<arg_min>} : vector<512x512xf32> -> vector<512xi32>
    %swap3A_178 = arith.constant 6 : index
    %swap3A_179 = arith.constant 0 : index
    %swap3A_180 = vector.load %arg4[%swap3A_178, %swap3A_179] : memref<8x512xi32, #tpu.memory_space<vmem>>, vector<1x512xi32>
    %swap3A_181 = vector.shape_cast %swap3A_180 : vector<1x512xi32> to vector<512xi32>
    %swap3A_182 = vector.shape_cast %argmin3A_177 : vector<512xi32> to vector<1x512xi32>
    tpu.vector_store %arg4[%swap3A_178, %swap3A_179], %swap3A_182 {strides = array<i32>} : memref<8x512xi32, #tpu.memory_space<vmem>>, vector<1x512xi32>,
    %slice3A_183 = vector.extract_strided_slice %get3A_1 {offsets = [224, 0], sizes = [32, 512], strides = [1, 1]} : vector<256x512xf32> to vector<32x512xf32>
    %mul3A_184 = arith.mulf %slice3A_183, %slice3A_183 : vector<32x512xf32>
    %reduce_sum3A_185 = arith.constant dense<0.000000e+00> : vector<512xf32>
    %reduce_sum3A_186 = vector.multi_reduction <add>, %mul3A_184, %reduce_sum3A_185 [0] : vector<32x512xf32> to vector<512xf32>
    %broadcast_in_dim3A_187 = vector.shape_cast %reduce_sum3A_186 : vector<512xf32> to vector<1x512xf32>
    %get3A_188 = arith.constant 7 : index
    %get3A_189 = arith.constant 0 : index
    %get3A_190 = arith.constant 0 : index
    %get3A_191 = vector.load %arg2[%get3A_188, %get3A_189, %get3A_190] : memref<8x512x32xf32, #tpu.memory_space<vmem>>, vector<1x512x32xf32>
    %get3A_192 = vector.shape_cast %get3A_191 : vector<1x512x32xf32> to vector<512x32xf32>
    %dot_general3A_193 = arith.constant dense<0.000000e+00> : vector<512x512xf32>
    %dot_general3A_194 = tpu.matmul %get3A_192, %slice3A_183, %dot_general3A_193 {dimension_numbers = #tpu.dot_dimension_numbers<[1], [0], [0], [1], [0, 0, 1, 1], [], []>, transpose_lhs_hint = false} : vector<512x32xf32>, vector<32x512xf32>, vector<512x512xf32> -> vector<512x512xf32>
    %add3A_195 = vector.broadcast %broadcast_in_dim3A_187 : vector<1x512xf32> to vector<512x512xf32>
    %add3A_196 = arith.addf %add3A_195, %dot_general3A_194 : vector<512x512xf32>
    %get3A_197 = arith.constant 7 : index
    %get3A_198 = arith.constant 0 : index
    %get3A_199 = vector.load %arg3[%get3A_197, %get3A_198] : memref<8x512xf32, #tpu.memory_space<vmem>>, vector<1x512xf32>
    %get3A_200 = vector.shape_cast %get3A_199 : vector<1x512xf32> to vector<512xf32>
    %broadcast_in_dim3A_201 = vector.shape_cast %get3A_200 : vector<512xf32> to vector<512x1xf32>
    %add3A_202 = vector.broadcast %broadcast_in_dim3A_201 : vector<512x1xf32> to vector<512x512xf32>
    %add3A_203 = arith.addf %add3A_196, %add3A_202 : vector<512x512xf32>
    %argmin3A_204 = tpu.reduce_index %add3A_203 {axis = 0 : i32, kind = #tpu.reduction_kind<arg_min>} : vector<512x512xf32> -> vector<512xi32>
    %swap3A_205 = arith.constant 7 : index
    %swap3A_206 = arith.constant 0 : index
    %swap3A_207 = vector.load %arg4[%swap3A_205, %swap3A_206] : memref<8x512xi32, #tpu.memory_space<vmem>>, vector<1x512xi32>
    %swap3A_208 = vector.shape_cast %swap3A_207 : vector<1x512xi32> to vector<512xi32>
    %swap3A_209 = vector.shape_cast %argmin3A_204 : vector<512xi32> to vector<1x512xi32>
    tpu.vector_store %arg4[%swap3A_205, %swap3A_206], %swap3A_209 {strides = array<i32>} : memref<8x512xi32, #tpu.memory_space<vmem>>, vector<1x512xi32>,
    return
  }
  func.func @transform_0(%arg0: i32) -> (i32, i32) {
    %c0_i32 = arith.constant 0 : i32
    %c0_i32_0 = arith.constant 0 : i32
    return %c0_i32, %arg0 : i32, i32
  }
  func.func @transform_1(%arg0: i32) -> (i32, i32, i32) {
    %c0_i32 = arith.constant 0 : i32
    %c0_i32_0 = arith.constant 0 : i32
    %c0_i32_1 = arith.constant 0 : i32
    %c0_i32_2 = arith.constant 0 : i32
    return %c0_i32, %c0_i32_0, %c0_i32_1 : i32, i32, i32
  }
  func.func @transform_2(%arg0: i32) -> (i32, i32) {
    %c0_i32 = arith.constant 0 : i32
    %c0_i32_0 = arith.constant 0 : i32
    %c0_i32_1 = arith.constant 0 : i32
    return %c0_i32, %c0_i32_0 : i32, i32
  }
  func.func @transform_3(%arg0: i32) -> (i32, i32) {
    %c0_i32 = arith.constant 0 : i32
    %c0_i32_0 = arith.constant 0 : i32
    return %c0_i32, %arg0 : i32, i32
  }
}

</mosaic_0001>

<sc_bundles>
// kernel: sparse-core-data-format-call.cloned.1.call-start
scs
called_computation_lowered:
.L_overlay_start_0:
0x0: {  	s2 =	sld [smem:$0x3FD9]  }
0x1: {  	s3 =	sld [smem:$0x3FFE];
	_ =	sdelay $0x1  }
0x2: {  	s1 =	srdreg.scid  }
0x3: {  	s0 =	sand.u32 $0x1, s1  }
0x4: {  	s18 =	sshll.u32 s0, $0xA;
	s2 =	sadd.s32 s3, s2  }
0x5: {  	s2 =	sadd.s32 s2, s18  }
0x6: {  	[smem:$0x3FC6] =	sst s2  }
0x7: {  	_ = 	snop  }
0x8: {  	s2 =	sld [smem:$0x3FC9];
	(tm) =	ssettm $0x1  }
0x9: {  	s19 =	sld [smem:$0x3FFB];
	_ =	sdelay $0x3  }
0xa: {  	_ =	strace s19  }
0xb: {  	s3 =	sld [smem:$0x3FFC];
	_ =	sdelay $0x3  }
0xc: {  	_ =	strace s3  }
0xd: {  	s3 =	sld [smem:$0x3FFD];
	_ =	sdelay $0x3  }
0xe: {  	_ =	strace s3  }
0xf: {  	_ =	strace $0x8FFFFFFF  }
0x10: {  	s20 =	sld [smem:$0x3FDB];
	_ =	sdelay $0x1  }
0x11: {  	s4 =	simm.s32 $_scs_section_size  }
0x12: {  	s5 =	simm.s32 $_size__tile_overlayer_lowered;
	s6 =	simm.s32 $_tile_overlayer_lowered  }
0x13: {  	s23 =	simm.s32 $0x1BFF;
	s22 =	sshll.u32 s6, $0x1;
	s3 =	sadd.s32 s4, s20  }
0x14: {  	s7 =	simm.s32 $0x0;
	s21 =	sshll.u32 s5, $0x1;
	s5 =	sadd.s32 s22, s3  }
0x15: {  	[timem:s7], [sflag:s23] =	dma.local [hbm:s5], s21  }
0x16: {  	_ =	swait.ge [sflag:s23], s21  }
0x17: {  	s4 =	ssub.s32 $0x0, s21;
	[sflag:s23] =	ssyncset.done $0x0  }
0x18: {  	[sflag:s23] =	ssyncadd.s32 s4;
	_ =	sdelay $0x1  }
0x19: {  	s24 =	simm.s32 $0x1B8B  }
0x1a: {  	_ =	swait.ge [sflag:s24], $0x1  }
0x1b: {  	[sflag:s24] =	ssyncset.done $0x0  }
0x1c: {  	s26 =	simm.s32 $0x1B8E;
	s25 =	sld [smem:$0x3FFE];
	[sflag:s24] =	ssyncadd.s32 $0xFFFFFFFF  }
0x1d: {  	s27 =	simm.s32 $execute0_lowered;
	[smem:$0x3FD2] =	sst s26  }
0x1e: {  	s5 =	sshll.u32 s27, $0x1;
	_ =	strace $0x80000046;
	[dreg:$0x1] =	wrdreg $0xFFFFFFFF  }
0x1f: {  	s28 =	simm.s32 $_size_execute0_lowered;
	s3 =	sadd.s32 s3, s5;
	[dreg:$0x0] =	wrdreg $0x0  }
0x20: {  	s5 =	sshll.u32 s28, $0x1;
	[dreg:$0x2] =	wrdreg s3  }
0x21: {  	[dreg:$0x3] =	wrdreg s5  }
0x22: {  	[dreg:$0x4] =	wrdreg $0xC0  }
0x23: {  	_ =	task [dreg:s7], $0x5FFFF  }
0x24: {  	[dreg:$0x1] =	wrdreg $0xFFFFFFFF  }
0x25: {  	[dreg:$0x0] =	wrdreg $0x60  }
0x26: {  	[dreg:$0x2] =	wrdreg s2  }
0x27: {  	[dreg:$0x3] =	wrdreg s25  }
0x28: {  	[dreg:$0x4] =	wrdreg $0x9  }
0x29: {  	_ =	task.clear_ibuf [dreg:s7], $0x5FFFF;
	_ =	strace $0x90000046  }
0x2a: {  	s29 =	simm.s32 $0x9;
	_ =	strace $0x80000048  }
0x2b: {  	_ =	swait.ge [sflag:s29], $0x1  }
0x2c: {  	[sflag:s29] =	ssyncadd.s32 $0xFFFFFFFF  }
0x2d: {  	_ =	strace $0x90000048  }
0x2e: {  	_ =	sfence  }
0x2f: {  	s30 =	sld [smem:$0x0];
	_ =	sdelay $0x2  }
0x30: {  	s31 =	sshll.u32 s1, $0xD;
	s1 =	sshrl.u32 s1, $0x2  }
0x31: {  	s3 =	sand.u32 $0x4000, s31;
	s1 =	sadd.s32 s1, s30  }
0x32: {  	s0 =	sor.u32 s3, s0;
	s1 =	sshll.u32 s1, $0x11  }
0x33: {  	s0 =	sor.u32 s1, s0  }
0x34: {  	s0 =	sadd.s32 $0x8F2B, s0  }
0x35: {  	[sflag:s0] =	ssyncadd.remote.s32 $0x1  }
0x36: {  	_ =	sfence.sel $0xFFFF  }
0x37: {  	[dreg:$0x0] =	wrdreg $0xFFFFFFFF;
	(pc) =	sbr.abs _section_cstart, $3  }
0x38: {  	[dreg:$0x1] =	wrdreg $0xFFFFFFFF  }
0x39: {  	_ =	task.clear_ibuf [dreg:s7], $0x2FFFF;
	_ =	strace $0x9FFFFFFF  }
0x3a: {  	(tm) =	ssettm $0x7FFFFFFF  }
0x3b: {  	_ =	shalt  }
tec
execute0_lowered:
.L_overlay_start_1:
0x0: {  	(tag) =	ssettag $0x1  }
0x1: {  	s0 =	srdreg.scid;
	s2 =	rddreg [dreg:$0x0]  }
0x2: {  	s4 =	rddreg [dreg:$0x1];
	s7 =	simm.s32 $0x1;
	s1 =	sshll.u32 s0, $0x4  }
0x3: {  	s8 =	simm.s32 $0x2;
	s0 =	stileid.u32;
	s1 =	sand.u32 $0x10, s1  }
0x4: {  	s13 =	simm.s32 $0x0;
	s12 =	simm.s32 $0x0;
	s1 =	sor.u32 s0, s1  }
0x5: {  	s9 =	simm.s32 $0x0;
	s11 =	simm.s32 $0x0;
	s3 =	sshll.u32 s1, $0x7  }
0x6: {  	s4 =	sadd.s32 $0x200, s4;
	s1 =	rddreg [dreg:$0x2];
	s6 =	ssub.s32 $0x8000, s3  }
.Ltmp0:
0x7: {  	_ =	strace $0x80000047;
	s5 =	sand.u32 $0xF80, s6;
	(pc) =	sbr.rel .LBB1_1-.Ltmp0, $4  }
0x8: {  	s10 =	smov.u32 s3;
	p0 =	sne.s32 s5, $0x0;
	s5 =	simm.s32 $0x1  }
0x9: {  	s6 =	sshrl.u32 s6, $0xC;
	s7 =	simm.s32 @!p0 $0x0;
	[sflag:s5] =	ssyncpa.u1 $0x0  }
0xa: {  	p0 =	por $0x0, $0x0;
	s7 =	sadd.s32 s7, s6;
	[sflag:s8] =	ssyncpa.u1 $0x0  }
0xb: {  	s8 =	simm.s32 $0x40000;
	s6 =	sshll.u32 s7, $0x1;
	s7 =	sshllo.u32 s7, $0x1  }
.LBB1_4:
0xc: {  	v5 =	vld [tilespmem:s16+$0xFFFFFFD0]  }
0xd: {  	[tilespmem:s17+$0x2040 ss:$0x81] =	vst.msk $0xffff, v1;
	v58 =	vld [tilespmem:s16+$0xFFFFFFE0]  }
0xe: {  	[tilespmem:s17+$0x2850 ss:$0x81] =	vst.msk $0xffff, v2;
	v59 =	vld [tilespmem:s16+$0xFFFFFFF0]  }
0xf: {  	s18 =	sshra.s32 s18, $0x2;
	[tilespmem:s17+$0x3060 ss:$0x81] =	vst.msk $0xffff, v3;
	v60 =	vld [tilespmem:s16+$0x0]  }
0x10: {  	[tilespmem:s17+$0x0 ss:$0x81] =	vst.msk $0xffff, v0;
	v61 =	vld [tilespmem:s16+$0x10];
	s15 =	sadd.s32 s18, s15  }
0x11: {  	s26 =	sshll.u32 s13, $0xF;
	v62 =	vld [tilespmem:s16+$0x20];
	[tilespmem:s15+$0x3870 ss:$0x81] =	vst.msk $0xffff, v4  }
0x12: {  	s27 =	sand.u32 $0x78, s12;
	s19 =	sshll.u32 s12, $0x3;
	v63 =	vld [tilespmem:s16+$0xFFFFFFC0];
	s29 =	sshll.u32 s13, $0x7;
	[tilespmem:s15+$0x810 ss:$0x81] =	vst.msk $0xffff, v5  }
0x13: {  	s17 =	sand.u32 $0x7C0000, s26;
	s28 =	sand.u32 $0x7FFC00, s19;
	s19 =	sand.u32 $0x7C00, s19;
	[tilespmem:s15+$0x1020 ss:$0x81] =	vst.msk $0xffff, v58  }
0x14: {  	s13 =	sand.u32 $0x380, s29;
	s16 =	sadd.s32 s28, s17;
	s30 =	sor.u32 s27, s19;
	[tilespmem:s15+$0x1830 ss:$0x81] =	vst.msk $0xffff, v59  }
0x15: {  	s16 =	sand.u32 $0x7F8000, s16;
	s13 =	sor.u32 s13, s30;
	[tilespmem:s15+$0x2040 ss:$0x81] =	vst.msk $0xffff, v60  }
0x16: {  	s31 =	sand.u32 $0x7, s12;
	s13 =	sor.u32 s16, s13;
	[tilespmem:s15+$0x2850 ss:$0x81] =	vst.msk $0xffff, v61  }
0x17: {  	s12 =	sshll.u32 s31, $0x12;
	[tilespmem:s15+$0x3060 ss:$0x81] =	vst.msk $0xffff, v62;
	s13 =	sshrl.u32 s13, $0x3  }
0x18: {  	s12 =	sor.u32 $0x400, s12;
	[tilespmem:s15+$0x0 ss:$0x81] =	vst.msk $0xffff, v63;
	s13 =	sadd.s32 s4, s13  }
0x19: {  	[hbm4b:s13+s12] =	stream.strided.scatter [tilespmem:s14], [sflag:$0x2], $0x4000, s8, s12, $0x20;
	[tilespmem:$0x10100] =	vst v63  }
.LBB1_5:
0x1a: {  	s14 =	sadd.s32 $0x80, s9  }
0x1b: {  	s12 =	sadd.s32 $0x1000, s10;
	s16 =	smov.u32 s10;
	p2 =	sgt.s32 s14, $0xFF  }
0x1c: {  	s16 =	smov.u32 @p2 s12  }
0x1d: {  	s14 =	simm.s32 @p2 $0x0;
	p2 =	sgt.s32 s16, $0x7FFF  }
0x1e: {  	s16 =	smov.u32 @p2 s3;
	p2 =	sne.s32 s11, s7  }
.Ltmp1:
0x1f: {  	p1 =	slt.u32 s11, $0x2;
	(pc) =	sbr.rel @!p2 .LBB1_6-.Ltmp1, $4  }
0x20: {  	s15 =	simm.s32 @!p1 $0x2  }
0x21: {  	s13 =	smov.u32 s9;
	p0 =	por !p0, !p0;
	_ =	swait.ge @!p1 [sflag:s15], $0x4000  }
0x22: {  	s12 =	smov.u32 s10;
	[sflag:s15] =	ssyncset.done @!p1 $0x0;
	s9 =	smov.u32 s14  }
0x23: {  	s11 =	sadd.s32 $0x1, s11;
	[sflag:s15] =	ssyncadd.s32 @!p1 $0xFFFFC000;
	s10 =	smov.u32 s16  }
.LBB1_1:
0x24: {  	p1 =	sge.u32 s11, s6  }
0x25: {  	s31 =	sadd.s32 $0xFFFFFFFF, s11;
	s14 =	sshll.u32 @!p1 s10, $0x8  }
0x26: {  	s15 =	sshll.u32 @!p1 s9, $0x3;
	s16 =	sshll.u32 @!p1 s10, $0x7;
	s14 =	sand.u32 @!p1 $0x7FF800, s14  }
0x27: {  	s17 =	sand.u32 @!p1 $0x78, s9;
	s14 =	sadd.s32 @!p1 s14, s15;
	s15 =	sand.u32 @!p1 $0x380, s16  }
0x28: {  	s16 =	sxor.u32 @!p1 $0xFFFFFFFF, s11;
	s14 =	sand.u32 @!p1 $0x7FFC00, s14;
	s15 =	sor.u32 @!p1 s15, s17  }
0x29: {  	s16 =	sshll.u32 @!p1 s16, $0xE;
	s14 =	sor.u32 @!p1 s14, s15;
	s15 =	sand.u32 @!p1 $0x7, s9  }
0x2a: {  	s17 =	simm.s32 @!p1 $0x800;
	s14 =	sshrl.u32 @!p1 s14, $0x3;
	s15 =	sshll.u32 @!p1 s15, $0x12  }
0x2b: {  	s16 =	sand.u32 @!p1 $0x4000, s16;
	s14 =	sadd.s32 @!p1 s2, s14;
	s15 =	sor.u32 @!p1 $0x400, s15  }
0x2c: {  	[tilespmem:s16], [sflag:$0x1] =	stream.strided.gather @!p1 [hbm4b:s14+s15], $0x4000, s17, s15, $0x38;
	[tilespmem:$0x10100] =	vst v63  }
0x2d: {  	p1 =	sge.u32 s31, s6  }
.Ltmp2:
0x2e: {  	_ = 	snop;
	(pc) =	sbr.rel @p1 .LBB1_5-.Ltmp2, $1  }
0x2f: {  	_ =	sdelay $0x3  }
0x30: {  	s14 =	simm.s32 $0x1  }
0x31: {  	_ =	swait.ge [sflag:s5], $0x4000;
	s14 =	simm.s32 @!p0 $0x0  }
0x32: {  	[sflag:s5] =	ssyncset.done $0x0;
	s15 =	sshll.u32 s14, $0xE  }
0x33: {  	[sflag:s5] =	ssyncadd.s32 $0xFFFFC000;
	s16 =	sor.u32 $0x40, s15  }
0x34: {  	s14 =	smul.u32 $0x10200, s14;
	v0 =	vld [tilespmem:s16+$0x30]  }
0x35: {  	v3 =	vld [tilespmem:s16+$0xFFFFFFD0]  }
0x36: {  	s14 =	sshrl.u32 s14, $0x2;
	v4 =	vld [tilespmem:s16+$0xFFFFFFE0]  }
0x37: {  	v5 =	vld [tilespmem:s16+$0xFFFFFFF0];
	s15 =	sor.u32 $0x8000, s14  }
0x38: {  	s31 =	sand.u32 $0x1, s11;
	v1 =	vld [tilespmem:s16+$0x0];
	s17 =	sadd.s32 $0x0, s15  }
0x39: {  	v2 =	vld [tilespmem:s16+$0x10];
	s14 =	smul.u32 $0x10200, s31;
	[tilespmem:s17+$0x3870 ss:$0x81] =	vst.msk $0xffff, v0  }
0x3a: {  	[tilespmem:s17+$0x810 ss:$0x81] =	vst.msk $0xffff, v3;
	v3 =	vld [tilespmem:s16+$0x20]  }
0x3b: {  	s14 =	sshrl.u32 s14, $0x2;
	v0 =	vld [tilespmem:s16+$0xFFFFFFC0];
	[tilespmem:s17+$0x1020 ss:$0x81] =	vst.msk $0xffff, v4;
	s16 =	sadd.s32 $0x80, s16  }
0x3c: {  	s18 =	simm.s32 $0x4;
	s19 =	simm.s32 $0x8;
	s14 =	sor.u32 $0x8000, s14;
	[tilespmem:s17+$0x1830 ss:$0x81] =	vst.msk $0xffff, v5;
	v4 =	vld [tilespmem:s16+$0x30]  }
.LBB1_3:
0x3d: {  	p1 =	sne.s32 s19, $0x1FC;
	v5 =	vld [tilespmem:s16+$0xFFFFFFD0];
	[tilespmem:s17+$0x2040 ss:$0x81] =	vst.msk $0xffff, v1  }
0x3e: {  	v6 =	vld [tilespmem:s16+$0xFFFFFFE0];
	[tilespmem:s17+$0x2850 ss:$0x81] =	vst.msk $0xffff, v2  }
0x3f: {  	s20 =	sshra.s32 s18, $0x2;
	s18 =	smov.u32 s19;
	v7 =	vld [tilespmem:s16+$0xFFFFFFF0];
	[tilespmem:s17+$0x3060 ss:$0x81] =	vst.msk $0xffff, v3  }
.Ltmp3:
0x40: {  	v1 =	vld [tilespmem:s16+$0x0];
	[tilespmem:s17+$0x0 ss:$0x81] =	vst.msk $0xffff, v0;
	s17 =	sadd.s32 s20, s15;
	(pc) =	sbr.rel @p1 .LBB1_3-.Ltmp3, $4  }
0x41: {  	v2 =	vld [tilespmem:s16+$0x10];
	[tilespmem:s17+$0x3870 ss:$0x81] =	vst.msk $0xffff, v4  }
0x42: {  	[tilespmem:s17+$0x810 ss:$0x81] =	vst.msk $0xffff, v5;
	v3 =	vld [tilespmem:s16+$0x20]  }
0x43: {  	v0 =	vld [tilespmem:s16+$0xFFFFFFC0];
	[tilespmem:s17+$0x1020 ss:$0x81] =	vst.msk $0xffff, v6;
	s16 =	sadd.s32 $0x80, s16  }
0x44: {  	s19 =	sadd.s32 $0x4, s19;
	v4 =	vld [tilespmem:s16+$0x30];
	[tilespmem:s17+$0x1830 ss:$0x81] =	vst.msk $0xffff, v7  }
.Ltmp4:
0x45: {  	_ = 	snop;
	(pc) =	sbr.rel .LBB1_4-.Ltmp4, $1  }
0x46: {  	_ =	sdelay $0x3  }
.LBB1_6:
0x47: {  	_ =	sfence.sel $0x180000  }
0x48: {  	s2 =	simm.s32 $0x1;
	[bflag:$0x0] =	sbarrier.arrive $0xFFFF  }
0x49: {  	s31 =	simm.s32 $0x2;
	[sflag:s2] =	ssyncpa.u1 $0x1  }
0x4a: {  	[sflag:s31] =	ssyncpa.u1 $0x1  }
0x4b: {  	p0 =	sne.s32 s0, $0x0;
	_ =	strace $0x90000047  }
0x4c: {  	s0 =	sadd.s32 @!p0 $0x100000, s1;
	[bflag:$0x2] =	sbarrier.arrive $0xFFFF  }
0x4d: {  	[sflag:s0] =	ssyncadd.tile.s32 @!p0 $0x1;
	_ =	shalt  }
.Lfunc_end1:
_tile_overlayer_lowered:
.L_overlay_start_2:
0x4e: {  	(tag) =	ssettag $0x2  }
0x4f: {  	s0 =	rddreg [dreg:$0x0];
	s2 =	stileid.u32  }
0x50: {  	s1 =	rddreg [dreg:$0x1];
	p0 =	sne.s32 s2, $0x0  }
0x51: {  	s3 =	rddreg [dreg:$0x2];
	[bflag:$0x3] =	sbarrier.arrive $0xFFFF;
	s2 =	simm.s32 @!p0 $0x1C01  }
0x52: {  	[timem:s3], [sflag:s2] =	dma.local @!p0 [hbm:s0], s1  }
0x53: {  	s0 =	simm.s32 @!p0 $0x1  }
0x54: {  	_ =	swait.ge @!p0 [sflag:s0], s1  }
0x55: {  	s1 =	ssub.s32 @!p0 $0x0, s1;
	[sflag:s0] =	ssyncset.done @!p0 $0x0  }
0x56: {  	[sflag:s0] =	ssyncadd.s32 @!p0 s1  }
0x57: {  	[bflag:$0x3] =	sbarrier.arrive $0xFFFF  }
0x58: {  	_ =	shalt  }

</sc_bundles>
